<compile_context>
chip_gen: v7x
topology: tpu7x:2x2x1
jax: 0.10.2.dev20260603
libtpu: 0.0.44.dev20260713+nightly
codegen_flags: <defaults>
</compile_context>

<pallas_src>
import functools

import jax
import jax.numpy as jnp
from jax import lax
from jax.experimental import pallas as pl
from jax.experimental.pallas import tpu as pltpu
from jax.experimental.pallas import tpu_sc as plsc

_NC = 2
_NS = 16
_NW = _NC * _NS
_CH = 128


def _sc_gather(baseline_t, genotypes_t, vxg2g, sel):
    v_total = vxg2g.shape[0]
    per_w = v_total // _NW
    n_ch = per_w // _CH
    rows_2d = v_total // _CH
    wb = baseline_t[0].shape[1]
    wg = genotypes_t.shape[1]

    mesh = plsc.VectorSubcoreMesh(core_axis_name="c", subcore_axis_name="s")

    @functools.partial(
        pl.kernel,
        out_type=(
            jax.ShapeDtypeStruct((rows_2d, _CH, wb), jnp.float32),
            jax.ShapeDtypeStruct((rows_2d, _CH, wb), jnp.float32),
            jax.ShapeDtypeStruct((rows_2d, _CH, wg), jnp.float32),
        ),
        mesh=mesh,
        scratch_types=[
            pltpu.VMEM((n_ch, _CH), jnp.int32),
            pltpu.VMEM((n_ch, _CH), jnp.int32),
            pltpu.VMEM((n_ch, _CH, wb), jnp.float32),
            pltpu.VMEM((n_ch, _CH, wb), jnp.float32),
            pltpu.VMEM((n_ch, _CH, wg), jnp.float32),
            pltpu.SemaphoreType.DMA,
            pltpu.SemaphoreType.DMA,
            pltpu.SemaphoreType.DMA,
        ],
        compiler_params=pltpu.CompilerParams(use_tc_tiling_on_sc=False),
    )
    def gather_kernel(bta_hbm, btb_hbm, gt_hbm, vg_hbm, sel_hbm,
                      outa_hbm, outb_hbm, outg_hbm,
                      idx_b, idx_g, rows_a, rows_b, rows_g,
                      sem_i, sem_g, sem_w):
        wid = lax.axis_index("s") * _NC + lax.axis_index("c")
        row0 = wid * n_ch
        ld_b = pltpu.async_copy(vg_hbm.at[pl.ds(row0, n_ch)], idx_b, sem_i)
        ld_g = pltpu.async_copy(sel_hbm.at[pl.ds(row0, n_ch)], idx_g, sem_i)
        ld_b.wait()
        ld_g.wait()
        gathers = []
        for j in range(n_ch):
            gathers.append(
                pltpu.async_copy(bta_hbm.at[idx_b.at[j]], rows_a.at[j], sem_g))
            gathers.append(
                pltpu.async_copy(btb_hbm.at[idx_b.at[j]], rows_b.at[j], sem_g))
            gathers.append(
                pltpu.async_copy(gt_hbm.at[idx_g.at[j]], rows_g.at[j], sem_g))
        for cp in gathers:
            cp.wait()
        st_a = pltpu.async_copy(rows_a, outa_hbm.at[pl.ds(row0, n_ch)], sem_w)
        st_b = pltpu.async_copy(rows_b, outb_hbm.at[pl.ds(row0, n_ch)], sem_w)
        st_g = pltpu.async_copy(rows_g, outg_hbm.at[pl.ds(row0, n_ch)], sem_w)
        st_a.wait()
        st_b.wait()
        st_g.wait()

    vg_2d = vxg2g.reshape(rows_2d, _CH)
    sel_2d = sel.reshape(rows_2d, _CH)
    out_a, out_b, out_g = gather_kernel(
        baseline_t[0], baseline_t[1], genotypes_t, vg_2d, sel_2d)
    return (out_a.reshape(v_total, wb), out_b.reshape(v_total, wb),
            out_g.reshape(v_total, wg))


def _tc_dense(fc_log, bsel_a, bsel_b, gsel_t, lib):
    n_c, v_total = fc_log.shape
    n_d = gsel_t.shape[1]
    v_blk = 1024
    grid = (v_total // v_blk,)

    def body(fc_ref, ba_ref, bb_ref, g_ref, lib_ref, out_ref):
        fc = fc_ref[...]
        ba = ba_ref[...].T
        bb = bb_ref[...].T
        b = jnp.concatenate([ba, bb[7:, :]], axis=0)
        g = g_ref[...].T
        lib_t = lib_ref[...].T
        t = b[:, None, :] + g[None, :, :] * fc[:, None, :]
        out_ref[...] = jnp.exp(t) * lib_t[:, :, None]

    return pl.pallas_call(
        body,
        grid=grid,
        in_specs=[
            pl.BlockSpec((n_c, v_blk), lambda i: (0, i)),
            pl.BlockSpec((v_blk, bsel_a.shape[1]), lambda i: (i, 0)),
            pl.BlockSpec((v_blk, bsel_b.shape[1]), lambda i: (i, 0)),
            pl.BlockSpec((v_blk, n_d), lambda i: (i, 0)),
            pl.BlockSpec((n_d, n_c), lambda i: (0, 0)),
        ],
        out_specs=pl.BlockSpec((n_c, n_d, v_blk), lambda i: (0, 0, i)),
        out_shape=jax.ShapeDtypeStruct((n_c, n_d, v_total), jnp.float32),
    )(fc_log, bsel_a, bsel_b, gsel_t, lib)


def kernel(fc_log, genotypes, expression_obs, variantxgene_to_gene,
           local_variant_to_local_variantxgene_selector, variantxgene_to_local_gene,
           lib, baseline_log, dispersion_log):
    del expression_obs, variantxgene_to_local_gene, dispersion_log
    n_c = fc_log.shape[0]
    n_d = genotypes.shape[0]

    baseline_t = (baseline_log[:16].T, baseline_log[9:25].T)
    genotypes_t = genotypes.T

    bsel_a, bsel_b, gsel_t = _sc_gather(
        baseline_t, genotypes_t,
        variantxgene_to_gene, local_variant_to_local_variantxgene_selector)

    out_cdv = _tc_dense(fc_log, bsel_a, bsel_b, gsel_t, lib)
    return jnp.transpose(out_cdv, (1, 0, 2))

# --- scband reference (transcript-rebuilt; emitter-appended) ---
"""Pipeline reference for scband-model-16673063043581 (READ-ONLY COPY).

The authoritative reference and input builder live on the scoring server;
editing this copy changes nothing except your own understanding.
"""

import jax, jax.numpy as jnp
import numpy as np

N_GENES = 20000
N_CLUSTERS = 25
N_DONORS = 64
N_VXG = 8192
N_VARIANTS = 4000
N_LOCAL_GENES = 2000
EPS = 1e-8


def setup_inputs(seed: int = 0) -> dict:
    key = jax.random.key(seed)
    ks = jax.random.split(key, 9)
    return {
        "fc_log": jax.random.normal(ks[0], (N_CLUSTERS, N_VXG), dtype=jnp.float32) * 0.1,
        "genotypes": jax.random.uniform(ks[1], (N_DONORS, N_VARIANTS), dtype=jnp.float32) * 2.0,
        "expression_obs": jnp.floor(jax.random.uniform(ks[2], (N_DONORS, N_CLUSTERS, N_LOCAL_GENES), dtype=jnp.float32) * 50.0),
        "variantxgene_to_gene": jax.random.randint(ks[3], (N_VXG,), 0, N_GENES, dtype=jnp.int32),
        "local_variant_to_local_variantxgene_selector": jax.random.randint(ks[4], (N_VXG,), 0, N_VARIANTS, dtype=jnp.int32),
        "variantxgene_to_local_gene": jax.random.randint(ks[5], (N_VXG,), 0, N_LOCAL_GENES, dtype=jnp.int32),
        "lib": jax.random.uniform(ks[6], (N_DONORS, N_CLUSTERS), dtype=jnp.float32) * 1000.0 + 100.0,
        "baseline_log": jax.random.normal(ks[7], (N_CLUSTERS, N_GENES), dtype=jnp.float32) * 0.5,
        "dispersion_log": jax.random.normal(ks[8], (N_CLUSTERS, N_GENES), dtype=jnp.float32) * 0.5,
    }


def _nb2_neg_log_prob(mu, dispersion, value):
    # NegativeBinomial2: dispersion clamped, logits/total_count parameterization,
    # log_prob as in torch.distributions.NegativeBinomial
    dispersion = jnp.minimum(dispersion, 20.0)
    logits = jnp.log(mu + EPS) - jnp.log(1.0 / dispersion + EPS)
    total_count = 1.0 / dispersion
    log_unnorm = total_count * jax.nn.log_sigmoid(-logits) + value * jax.nn.log_sigmoid(logits)
    log_norm = -jax.lax.lgamma(total_count + value) + jax.lax.lgamma(1.0 + value) + jax.lax.lgamma(total_count)
    log_norm = jnp.where(total_count + value == 0.0, 0.0, log_norm)
    return -(log_unnorm - log_norm)


def reference(fc_log, genotypes, expression_obs, variantxgene_to_gene,
              local_variant_to_local_variantxgene_selector, variantxgene_to_local_gene,
              lib, baseline_log, dispersion_log):
    # ExpressionPredictor.forward
    g = jnp.take(genotypes, local_variant_to_local_variantxgene_selector, axis=1)  # [D, VXG]
    expression_delta = g[:, None, :] * fc_log[None, :, :]                          # [D, C, VXG]
    expression_log = jnp.take(baseline_log, variantxgene_to_gene, axis=1)[None, :, :] + expression_delta
    expression = jnp.exp(expression_log)
    expressed = expression * lib[:, :, None]
    dispersion = jnp.take(jnp.exp(dispersion_log), variantxgene_to_gene, axis=1)   # [C, VXG]
    obs = jnp.take(expression_obs, variantxgene_to_local_gene, axis=2)             # [D, C, VXG]
    elbo = _nb2_neg_log_prob(expressed, dispersion[None, :, :], obs)
    # original forward returns `expressed`; elbo is computed as a side effect.
    # add 0*elbo to keep the likelihood computation alive without changing values.
    return expressed + 0.0 * elbo

if __name__ == "__main__":
    import jax
    _d = setup_inputs()
    print(jax.jit(kernel)(*tuple(_d.values())))

</pallas_src>

<mosaic_0001>
#map = affine_map<(d0, d1) -> (0, 0)>
#map1 = affine_map<(d0, d1) -> (0, 0, 0)>
module attributes {stable_mosaic.version = 14 : i64} {
  func.func @gather_kernel(%arg0: i32, %arg1: i32, %arg2: memref<20000x16xf32, #tpu.memory_space<hbm>>, %arg3: memref<20000x16xf32, #tpu.memory_space<hbm>>, %arg4: memref<4000x64xf32, #tpu.memory_space<hbm>>, %arg5: memref<64x128xi32, #tpu.memory_space<hbm>>, %arg6: memref<64x128xi32, #tpu.memory_space<hbm>>, %arg7: memref<64x128x16xf32, #tpu.memory_space<hbm>>, %arg8: memref<64x128x16xf32, #tpu.memory_space<hbm>>, %arg9: memref<64x128x64xf32, #tpu.memory_space<hbm>>, %arg10: memref<2x128xi32, #tpu.memory_space<vmem>>, %arg11: memref<2x128xi32, #tpu.memory_space<vmem>>, %arg12: memref<2x128x16xf32, #tpu.memory_space<vmem>>, %arg13: memref<2x128x16xf32, #tpu.memory_space<vmem>>, %arg14: memref<2x128x64xf32, #tpu.memory_space<vmem>>, %arg15: memref<!tpu.dma_semaphore, #tpu.memory_space<semaphore_mem>>, %arg16: memref<!tpu.dma_semaphore, #tpu.memory_space<semaphore_mem>>, %arg17: memref<!tpu.dma_semaphore, #tpu.memory_space<semaphore_mem>>) attributes {dimension_semantics = [#tpu.dimension_semantics<core_parallel>, #tpu.dimension_semantics<subcore_parallel>], iteration_bounds = array<i64: 2, 16>, scalar_prefetch = 0 : i64, scratch_operands = 8 : i64, tpu.core_type = #tpu.core_type<sc_vector_subcore>, window_params = [{transform_indices = #map}, {transform_indices = #map}, {transform_indices = #map}, {transform_indices = #map}, {transform_indices = #map}, {transform_indices = #map1}, {transform_indices = #map1}, {transform_indices = #map1}]} {
    %mul3A = arith.constant 2 : i32
    %mul3A_0 = arith.muli %arg1, %mul3A : i32
    %add3A = arith.addi %mul3A_0, %arg0 : i32
    %mul3A_1 = arith.constant 2 : i32
    %mul3A_2 = arith.muli %add3A, %mul3A_1 : i32
    %dma_start3A = arith.constant 0 : i32
    %dma_start3A_3 = tpu.memref_slice %arg5[%mul3A_2, %dma_start3A] : memref<64x128xi32, #tpu.memory_space<hbm>> -> memref<2x128xi32, #tpu.memory_space<hbm>>
    %dma_start3A_4 = arith.constant 0 : i32
    %dma_start3A_5 = tpu.memref_slice %arg5[%mul3A_2, %dma_start3A_4] : memref<64x128xi32, #tpu.memory_space<hbm>> -> memref<2x128xi32, #tpu.memory_space<hbm>>
    tpu.enqueue_dma source(%dma_start3A_5 : memref<2x128xi32, #tpu.memory_space<hbm>>) target(%arg10 : memref<2x128xi32, #tpu.memory_space<vmem>>) target_semaphore(%arg15 : memref<!tpu.dma_semaphore, #tpu.memory_space<semaphore_mem>>)
    %dma_start3A_6 = arith.constant 0 : i32
    %dma_start3A_7 = tpu.memref_slice %arg6[%mul3A_2, %dma_start3A_6] : memref<64x128xi32, #tpu.memory_space<hbm>> -> memref<2x128xi32, #tpu.memory_space<hbm>>
    %dma_start3A_8 = arith.constant 0 : i32
    %dma_start3A_9 = tpu.memref_slice %arg6[%mul3A_2, %dma_start3A_8] : memref<64x128xi32, #tpu.memory_space<hbm>> -> memref<2x128xi32, #tpu.memory_space<hbm>>
    tpu.enqueue_dma source(%dma_start3A_9 : memref<2x128xi32, #tpu.memory_space<hbm>>) target(%arg11 : memref<2x128xi32, #tpu.memory_space<vmem>>) target_semaphore(%arg15 : memref<!tpu.dma_semaphore, #tpu.memory_space<semaphore_mem>>)
    %dma_wait3A = arith.constant 0 : i32
    %dma_wait3A_10 = tpu.memref_slice %arg5[%mul3A_2, %dma_wait3A] : memref<64x128xi32, #tpu.memory_space<hbm>> -> memref<2x128xi32, #tpu.memory_space<hbm>>
    %dma_wait3A_11 = arith.constant 0 : i32
    %dma_wait3A_12 = tpu.memref_slice %arg5[%mul3A_2, %dma_wait3A_11] : memref<64x128xi32, #tpu.memory_space<hbm>> -> memref<2x128xi32, #tpu.memory_space<hbm>>
    tpu.wait_dma2 semaphore(%arg15 : memref<!tpu.dma_semaphore, #tpu.memory_space<semaphore_mem>>) src(%dma_wait3A_12 : memref<2x128xi32, #tpu.memory_space<hbm>>) dst(%arg10 : memref<2x128xi32, #tpu.memory_space<vmem>>)
    %dma_wait3A_13 = arith.constant 0 : i32
    %dma_wait3A_14 = tpu.memref_slice %arg6[%mul3A_2, %dma_wait3A_13] : memref<64x128xi32, #tpu.memory_space<hbm>> -> memref<2x128xi32, #tpu.memory_space<hbm>>
    %dma_wait3A_15 = arith.constant 0 : i32
    %dma_wait3A_16 = tpu.memref_slice %arg6[%mul3A_2, %dma_wait3A_15] : memref<64x128xi32, #tpu.memory_space<hbm>> -> memref<2x128xi32, #tpu.memory_space<hbm>>
    tpu.wait_dma2 semaphore(%arg15 : memref<!tpu.dma_semaphore, #tpu.memory_space<semaphore_mem>>) src(%dma_wait3A_16 : memref<2x128xi32, #tpu.memory_space<hbm>>) dst(%arg11 : memref<2x128xi32, #tpu.memory_space<vmem>>)
    %dma_start3A_17 = arith.constant 0 : i32
    %dma_start3A_18 = arith.constant 0 : i32
    %dma_start3A_19 = arith.constant 0 : i32
    %dma_start3A_20 = arith.constant 0 : i32
    %dma_start3A_21 = tpu.memref_slice %arg12[%dma_start3A_18, %dma_start3A_19, %dma_start3A_20] : memref<2x128x16xf32, #tpu.memory_space<vmem>> -> memref<1x128x16xf32, #tpu.memory_space<vmem>>
    %dma_start3A_22 = tpu.memref_squeeze %dma_start3A_21 : memref<1x128x16xf32, #tpu.memory_space<vmem>> -> memref<128x16xf32, #tpu.memory_space<vmem>>
    %dma_start3A_23 = arith.constant 0 : i32
    %dma_start3A_24 = tpu.memref_slice %arg10[%dma_start3A_17, %dma_start3A_23] : memref<2x128xi32, #tpu.memory_space<vmem>> -> memref<1x128xi32, #tpu.memory_space<vmem>>
    %dma_start3A_25 = tpu.memref_squeeze %dma_start3A_24 : memref<1x128xi32, #tpu.memory_space<vmem>> -> memref<128xi32, #tpu.memory_space<vmem>>
    %dma_start3A_26 = arith.constant 0 : i32
    %dma_start3A_27 = arith.constant 0 : i32
    %dma_start3A_28 = tpu.memref_slice %arg2[%dma_start3A_26, %dma_start3A_27] : memref<20000x16xf32, #tpu.memory_space<hbm>> -> memref<20000x16xf32, #tpu.memory_space<hbm>>
    tpu.enqueue_indirect_dma source(%dma_start3A_28 : memref<20000x16xf32, #tpu.memory_space<hbm>>) target(%dma_start3A_22 : memref<128x16xf32, #tpu.memory_space<vmem>>) offsets(%dma_start3A_25 : memref<128xi32, #tpu.memory_space<vmem>>) semaphore(%arg16 : memref<!tpu.dma_semaphore, #tpu.memory_space<semaphore_mem>>)
    %dma_start3A_29 = arith.constant 0 : i32
    %dma_start3A_30 = arith.constant 0 : i32
    %dma_start3A_31 = arith.constant 0 : i32
    %dma_start3A_32 = arith.constant 0 : i32
    %dma_start3A_33 = tpu.memref_slice %arg13[%dma_start3A_30, %dma_start3A_31, %dma_start3A_32] : memref<2x128x16xf32, #tpu.memory_space<vmem>> -> memref<1x128x16xf32, #tpu.memory_space<vmem>>
    %dma_start3A_34 = tpu.memref_squeeze %dma_start3A_33 : memref<1x128x16xf32, #tpu.memory_space<vmem>> -> memref<128x16xf32, #tpu.memory_space<vmem>>
    %dma_start3A_35 = arith.constant 0 : i32
    %dma_start3A_36 = tpu.memref_slice %arg10[%dma_start3A_29, %dma_start3A_35] : memref<2x128xi32, #tpu.memory_space<vmem>> -> memref<1x128xi32, #tpu.memory_space<vmem>>
    %dma_start3A_37 = tpu.memref_squeeze %dma_start3A_36 : memref<1x128xi32, #tpu.memory_space<vmem>> -> memref<128xi32, #tpu.memory_space<vmem>>
    %dma_start3A_38 = arith.constant 0 : i32
    %dma_start3A_39 = arith.constant 0 : i32
    %dma_start3A_40 = tpu.memref_slice %arg3[%dma_start3A_38, %dma_start3A_39] : memref<20000x16xf32, #tpu.memory_space<hbm>> -> memref<20000x16xf32, #tpu.memory_space<hbm>>
    tpu.enqueue_indirect_dma source(%dma_start3A_40 : memref<20000x16xf32, #tpu.memory_space<hbm>>) target(%dma_start3A_34 : memref<128x16xf32, #tpu.memory_space<vmem>>) offsets(%dma_start3A_37 : memref<128xi32, #tpu.memory_space<vmem>>) semaphore(%arg16 : memref<!tpu.dma_semaphore, #tpu.memory_space<semaphore_mem>>)
    %dma_start3A_41 = arith.constant 0 : i32
    %dma_start3A_42 = arith.constant 0 : i32
    %dma_start3A_43 = arith.constant 0 : i32
    %dma_start3A_44 = arith.constant 0 : i32
    %dma_start3A_45 = tpu.memref_slice %arg14[%dma_start3A_42, %dma_start3A_43, %dma_start3A_44] : memref<2x128x64xf32, #tpu.memory_space<vmem>> -> memref<1x128x64xf32, #tpu.memory_space<vmem>>
    %dma_start3A_46 = tpu.memref_squeeze %dma_start3A_45 : memref<1x128x64xf32, #tpu.memory_space<vmem>> -> memref<128x64xf32, #tpu.memory_space<vmem>>
    %dma_start3A_47 = arith.constant 0 : i32
    %dma_start3A_48 = tpu.memref_slice %arg11[%dma_start3A_41, %dma_start3A_47] : memref<2x128xi32, #tpu.memory_space<vmem>> -> memref<1x128xi32, #tpu.memory_space<vmem>>
    %dma_start3A_49 = tpu.memref_squeeze %dma_start3A_48 : memref<1x128xi32, #tpu.memory_space<vmem>> -> memref<128xi32, #tpu.memory_space<vmem>>
    %dma_start3A_50 = arith.constant 0 : i32
    %dma_start3A_51 = arith.constant 0 : i32
    %dma_start3A_52 = tpu.memref_slice %arg4[%dma_start3A_50, %dma_start3A_51] : memref<4000x64xf32, #tpu.memory_space<hbm>> -> memref<4000x64xf32, #tpu.memory_space<hbm>>
    tpu.enqueue_indirect_dma source(%dma_start3A_52 : memref<4000x64xf32, #tpu.memory_space<hbm>>) target(%dma_start3A_46 : memref<128x64xf32, #tpu.memory_space<vmem>>) offsets(%dma_start3A_49 : memref<128xi32, #tpu.memory_space<vmem>>) semaphore(%arg16 : memref<!tpu.dma_semaphore, #tpu.memory_space<semaphore_mem>>)
    %dma_start3A_53 = arith.constant 1 : i32
    %dma_start3A_54 = arith.constant 1 : i32
    %dma_start3A_55 = arith.constant 0 : i32
    %dma_start3A_56 = arith.constant 0 : i32
    %dma_start3A_57 = tpu.memref_slice %arg12[%dma_start3A_54, %dma_start3A_55, %dma_start3A_56] : memref<2x128x16xf32, #tpu.memory_space<vmem>> -> memref<1x128x16xf32, #tpu.memory_space<vmem>>
    %dma_start3A_58 = tpu.memref_squeeze %dma_start3A_57 : memref<1x128x16xf32, #tpu.memory_space<vmem>> -> memref<128x16xf32, #tpu.memory_space<vmem>>
    %dma_start3A_59 = arith.constant 0 : i32
    %dma_start3A_60 = tpu.memref_slice %arg10[%dma_start3A_53, %dma_start3A_59] : memref<2x128xi32, #tpu.memory_space<vmem>> -> memref<1x128xi32, #tpu.memory_space<vmem>>
    %dma_start3A_61 = tpu.memref_squeeze %dma_start3A_60 : memref<1x128xi32, #tpu.memory_space<vmem>> -> memref<128xi32, #tpu.memory_space<vmem>>
    %dma_start3A_62 = arith.constant 0 : i32
    %dma_start3A_63 = arith.constant 0 : i32
    %dma_start3A_64 = tpu.memref_slice %arg2[%dma_start3A_62, %dma_start3A_63] : memref<20000x16xf32, #tpu.memory_space<hbm>> -> memref<20000x16xf32, #tpu.memory_space<hbm>>
    tpu.enqueue_indirect_dma source(%dma_start3A_64 : memref<20000x16xf32, #tpu.memory_space<hbm>>) target(%dma_start3A_58 : memref<128x16xf32, #tpu.memory_space<vmem>>) offsets(%dma_start3A_61 : memref<128xi32, #tpu.memory_space<vmem>>) semaphore(%arg16 : memref<!tpu.dma_semaphore, #tpu.memory_space<semaphore_mem>>)
    %dma_start3A_65 = arith.constant 1 : i32
    %dma_start3A_66 = arith.constant 1 : i32
    %dma_start3A_67 = arith.constant 0 : i32
    %dma_start3A_68 = arith.constant 0 : i32
    %dma_start3A_69 = tpu.memref_slice %arg13[%dma_start3A_66, %dma_start3A_67, %dma_start3A_68] : memref<2x128x16xf32, #tpu.memory_space<vmem>> -> memref<1x128x16xf32, #tpu.memory_space<vmem>>
    %dma_start3A_70 = tpu.memref_squeeze %dma_start3A_69 : memref<1x128x16xf32, #tpu.memory_space<vmem>> -> memref<128x16xf32, #tpu.memory_space<vmem>>
    %dma_start3A_71 = arith.constant 0 : i32
    %dma_start3A_72 = tpu.memref_slice %arg10[%dma_start3A_65, %dma_start3A_71] : memref<2x128xi32, #tpu.memory_space<vmem>> -> memref<1x128xi32, #tpu.memory_space<vmem>>
    %dma_start3A_73 = tpu.memref_squeeze %dma_start3A_72 : memref<1x128xi32, #tpu.memory_space<vmem>> -> memref<128xi32, #tpu.memory_space<vmem>>
    %dma_start3A_74 = arith.constant 0 : i32
    %dma_start3A_75 = arith.constant 0 : i32
    %dma_start3A_76 = tpu.memref_slice %arg3[%dma_start3A_74, %dma_start3A_75] : memref<20000x16xf32, #tpu.memory_space<hbm>> -> memref<20000x16xf32, #tpu.memory_space<hbm>>
    tpu.enqueue_indirect_dma source(%dma_start3A_76 : memref<20000x16xf32, #tpu.memory_space<hbm>>) target(%dma_start3A_70 : memref<128x16xf32, #tpu.memory_space<vmem>>) offsets(%dma_start3A_73 : memref<128xi32, #tpu.memory_space<vmem>>) semaphore(%arg16 : memref<!tpu.dma_semaphore, #tpu.memory_space<semaphore_mem>>)
    %dma_start3A_77 = arith.constant 1 : i32
    %dma_start3A_78 = arith.constant 1 : i32
    %dma_start3A_79 = arith.constant 0 : i32
    %dma_start3A_80 = arith.constant 0 : i32
    %dma_start3A_81 = tpu.memref_slice %arg14[%dma_start3A_78, %dma_start3A_79, %dma_start3A_80] : memref<2x128x64xf32, #tpu.memory_space<vmem>> -> memref<1x128x64xf32, #tpu.memory_space<vmem>>
    %dma_start3A_82 = tpu.memref_squeeze %dma_start3A_81 : memref<1x128x64xf32, #tpu.memory_space<vmem>> -> memref<128x64xf32, #tpu.memory_space<vmem>>
    %dma_start3A_83 = arith.constant 0 : i32
    %dma_start3A_84 = tpu.memref_slice %arg11[%dma_start3A_77, %dma_start3A_83] : memref<2x128xi32, #tpu.memory_space<vmem>> -> memref<1x128xi32, #tpu.memory_space<vmem>>
    %dma_start3A_85 = tpu.memref_squeeze %dma_start3A_84 : memref<1x128xi32, #tpu.memory_space<vmem>> -> memref<128xi32, #tpu.memory_space<vmem>>
    %dma_start3A_86 = arith.constant 0 : i32
    %dma_start3A_87 = arith.constant 0 : i32
    %dma_start3A_88 = tpu.memref_slice %arg4[%dma_start3A_86, %dma_start3A_87] : memref<4000x64xf32, #tpu.memory_space<hbm>> -> memref<4000x64xf32, #tpu.memory_space<hbm>>
    tpu.enqueue_indirect_dma source(%dma_start3A_88 : memref<4000x64xf32, #tpu.memory_space<hbm>>) target(%dma_start3A_82 : memref<128x64xf32, #tpu.memory_space<vmem>>) offsets(%dma_start3A_85 : memref<128xi32, #tpu.memory_space<vmem>>) semaphore(%arg16 : memref<!tpu.dma_semaphore, #tpu.memory_space<semaphore_mem>>)
    %dma_wait3A_89 = arith.constant 0 : i32
    %dma_wait3A_90 = arith.constant 0 : i32
    %dma_wait3A_91 = arith.constant 0 : i32
    %dma_wait3A_92 = arith.constant 0 : i32
    %dma_wait3A_93 = tpu.memref_slice %arg12[%dma_wait3A_90, %dma_wait3A_91, %dma_wait3A_92] : memref<2x128x16xf32, #tpu.memory_space<vmem>> -> memref<1x128x16xf32, #tpu.memory_space<vmem>>
    %dma_wait3A_94 = tpu.memref_squeeze %dma_wait3A_93 : memref<1x128x16xf32, #tpu.memory_space<vmem>> -> memref<128x16xf32, #tpu.memory_space<vmem>>
    %dma_wait3A_95 = arith.constant 0 : i32
    %dma_wait3A_96 = tpu.memref_slice %arg10[%dma_wait3A_89, %dma_wait3A_95] : memref<2x128xi32, #tpu.memory_space<vmem>> -> memref<1x128xi32, #tpu.memory_space<vmem>>
    %dma_wait3A_97 = tpu.memref_squeeze %dma_wait3A_96 : memref<1x128xi32, #tpu.memory_space<vmem>> -> memref<128xi32, #tpu.memory_space<vmem>>
    %dma_wait3A_98 = arith.constant 0 : i32
    %dma_wait3A_99 = arith.constant 0 : i32
    %dma_wait3A_100 = tpu.memref_slice %arg2[%dma_wait3A_98, %dma_wait3A_99] : memref<20000x16xf32, #tpu.memory_space<hbm>> -> memref<20000x16xf32, #tpu.memory_space<hbm>>
    tpu.wait_indirect_dma semaphore(%arg16 : memref<!tpu.dma_semaphore, #tpu.memory_space<semaphore_mem>>) src(%dma_wait3A_100 : memref<20000x16xf32, #tpu.memory_space<hbm>>) dst(%dma_wait3A_94 : memref<128x16xf32, #tpu.memory_space<vmem>>)
    %dma_wait3A_101 = arith.constant 0 : i32
    %dma_wait3A_102 = arith.constant 0 : i32
    %dma_wait3A_103 = arith.constant 0 : i32
    %dma_wait3A_104 = arith.constant 0 : i32
    %dma_wait3A_105 = tpu.memref_slice %arg13[%dma_wait3A_102, %dma_wait3A_103, %dma_wait3A_104] : memref<2x128x16xf32, #tpu.memory_space<vmem>> -> memref<1x128x16xf32, #tpu.memory_space<vmem>>
    %dma_wait3A_106 = tpu.memref_squeeze %dma_wait3A_105 : memref<1x128x16xf32, #tpu.memory_space<vmem>> -> memref<128x16xf32, #tpu.memory_space<vmem>>
    %dma_wait3A_107 = arith.constant 0 : i32
    %dma_wait3A_108 = tpu.memref_slice %arg10[%dma_wait3A_101, %dma_wait3A_107] : memref<2x128xi32, #tpu.memory_space<vmem>> -> memref<1x128xi32, #tpu.memory_space<vmem>>
    %dma_wait3A_109 = tpu.memref_squeeze %dma_wait3A_108 : memref<1x128xi32, #tpu.memory_space<vmem>> -> memref<128xi32, #tpu.memory_space<vmem>>
    %dma_wait3A_110 = arith.constant 0 : i32
    %dma_wait3A_111 = arith.constant 0 : i32
    %dma_wait3A_112 = tpu.memref_slice %arg3[%dma_wait3A_110, %dma_wait3A_111] : memref<20000x16xf32, #tpu.memory_space<hbm>> -> memref<20000x16xf32, #tpu.memory_space<hbm>>
    tpu.wait_indirect_dma semaphore(%arg16 : memref<!tpu.dma_semaphore, #tpu.memory_space<semaphore_mem>>) src(%dma_wait3A_112 : memref<20000x16xf32, #tpu.memory_space<hbm>>) dst(%dma_wait3A_106 : memref<128x16xf32, #tpu.memory_space<vmem>>)
    %dma_wait3A_113 = arith.constant 0 : i32
    %dma_wait3A_114 = arith.constant 0 : i32
    %dma_wait3A_115 = arith.constant 0 : i32
    %dma_wait3A_116 = arith.constant 0 : i32
    %dma_wait3A_117 = tpu.memref_slice %arg14[%dma_wait3A_114, %dma_wait3A_115, %dma_wait3A_116] : memref<2x128x64xf32, #tpu.memory_space<vmem>> -> memref<1x128x64xf32, #tpu.memory_space<vmem>>
    %dma_wait3A_118 = tpu.memref_squeeze %dma_wait3A_117 : memref<1x128x64xf32, #tpu.memory_space<vmem>> -> memref<128x64xf32, #tpu.memory_space<vmem>>
    %dma_wait3A_119 = arith.constant 0 : i32
    %dma_wait3A_120 = tpu.memref_slice %arg11[%dma_wait3A_113, %dma_wait3A_119] : memref<2x128xi32, #tpu.memory_space<vmem>> -> memref<1x128xi32, #tpu.memory_space<vmem>>
    %dma_wait3A_121 = tpu.memref_squeeze %dma_wait3A_120 : memref<1x128xi32, #tpu.memory_space<vmem>> -> memref<128xi32, #tpu.memory_space<vmem>>
    %dma_wait3A_122 = arith.constant 0 : i32
    %dma_wait3A_123 = arith.constant 0 : i32
    %dma_wait3A_124 = tpu.memref_slice %arg4[%dma_wait3A_122, %dma_wait3A_123] : memref<4000x64xf32, #tpu.memory_space<hbm>> -> memref<4000x64xf32, #tpu.memory_space<hbm>>
    tpu.wait_indirect_dma semaphore(%arg16 : memref<!tpu.dma_semaphore, #tpu.memory_space<semaphore_mem>>) src(%dma_wait3A_124 : memref<4000x64xf32, #tpu.memory_space<hbm>>) dst(%dma_wait3A_118 : memref<128x64xf32, #tpu.memory_space<vmem>>)
    %dma_wait3A_125 = arith.constant 1 : i32
    %dma_wait3A_126 = arith.constant 1 : i32
    %dma_wait3A_127 = arith.constant 0 : i32
    %dma_wait3A_128 = arith.constant 0 : i32
    %dma_wait3A_129 = tpu.memref_slice %arg12[%dma_wait3A_126, %dma_wait3A_127, %dma_wait3A_128] : memref<2x128x16xf32, #tpu.memory_space<vmem>> -> memref<1x128x16xf32, #tpu.memory_space<vmem>>
    %dma_wait3A_130 = tpu.memref_squeeze %dma_wait3A_129 : memref<1x128x16xf32, #tpu.memory_space<vmem>> -> memref<128x16xf32, #tpu.memory_space<vmem>>
    %dma_wait3A_131 = arith.constant 0 : i32
    %dma_wait3A_132 = tpu.memref_slice %arg10[%dma_wait3A_125, %dma_wait3A_131] : memref<2x128xi32, #tpu.memory_space<vmem>> -> memref<1x128xi32, #tpu.memory_space<vmem>>
    %dma_wait3A_133 = tpu.memref_squeeze %dma_wait3A_132 : memref<1x128xi32, #tpu.memory_space<vmem>> -> memref<128xi32, #tpu.memory_space<vmem>>
    %dma_wait3A_134 = arith.constant 0 : i32
    %dma_wait3A_135 = arith.constant 0 : i32
    %dma_wait3A_136 = tpu.memref_slice %arg2[%dma_wait3A_134, %dma_wait3A_135] : memref<20000x16xf32, #tpu.memory_space<hbm>> -> memref<20000x16xf32, #tpu.memory_space<hbm>>
    tpu.wait_indirect_dma semaphore(%arg16 : memref<!tpu.dma_semaphore, #tpu.memory_space<semaphore_mem>>) src(%dma_wait3A_136 : memref<20000x16xf32, #tpu.memory_space<hbm>>) dst(%dma_wait3A_130 : memref<128x16xf32, #tpu.memory_space<vmem>>)
    %dma_wait3A_137 = arith.constant 1 : i32
    %dma_wait3A_138 = arith.constant 1 : i32
    %dma_wait3A_139 = arith.constant 0 : i32
    %dma_wait3A_140 = arith.constant 0 : i32
    %dma_wait3A_141 = tpu.memref_slice %arg13[%dma_wait3A_138, %dma_wait3A_139, %dma_wait3A_140] : memref<2x128x16xf32, #tpu.memory_space<vmem>> -> memref<1x128x16xf32, #tpu.memory_space<vmem>>
    %dma_wait3A_142 = tpu.memref_squeeze %dma_wait3A_141 : memref<1x128x16xf32, #tpu.memory_space<vmem>> -> memref<128x16xf32, #tpu.memory_space<vmem>>
    %dma_wait3A_143 = arith.constant 0 : i32
    %dma_wait3A_144 = tpu.memref_slice %arg10[%dma_wait3A_137, %dma_wait3A_143] : memref<2x128xi32, #tpu.memory_space<vmem>> -> memref<1x128xi32, #tpu.memory_space<vmem>>
    %dma_wait3A_145 = tpu.memref_squeeze %dma_wait3A_144 : memref<1x128xi32, #tpu.memory_space<vmem>> -> memref<128xi32, #tpu.memory_space<vmem>>
    %dma_wait3A_146 = arith.constant 0 : i32
    %dma_wait3A_147 = arith.constant 0 : i32
    %dma_wait3A_148 = tpu.memref_slice %arg3[%dma_wait3A_146, %dma_wait3A_147] : memref<20000x16xf32, #tpu.memory_space<hbm>> -> memref<20000x16xf32, #tpu.memory_space<hbm>>
    tpu.wait_indirect_dma semaphore(%arg16 : memref<!tpu.dma_semaphore, #tpu.memory_space<semaphore_mem>>) src(%dma_wait3A_148 : memref<20000x16xf32, #tpu.memory_space<hbm>>) dst(%dma_wait3A_142 : memref<128x16xf32, #tpu.memory_space<vmem>>)
    %dma_wait3A_149 = arith.constant 1 : i32
    %dma_wait3A_150 = arith.constant 1 : i32
    %dma_wait3A_151 = arith.constant 0 : i32
    %dma_wait3A_152 = arith.constant 0 : i32
    %dma_wait3A_153 = tpu.memref_slice %arg14[%dma_wait3A_150, %dma_wait3A_151, %dma_wait3A_152] : memref<2x128x64xf32, #tpu.memory_space<vmem>> -> memref<1x128x64xf32, #tpu.memory_space<vmem>>
    %dma_wait3A_154 = tpu.memref_squeeze %dma_wait3A_153 : memref<1x128x64xf32, #tpu.memory_space<vmem>> -> memref<128x64xf32, #tpu.memory_space<vmem>>
    %dma_wait3A_155 = arith.constant 0 : i32
    %dma_wait3A_156 = tpu.memref_slice %arg11[%dma_wait3A_149, %dma_wait3A_155] : memref<2x128xi32, #tpu.memory_space<vmem>> -> memref<1x128xi32, #tpu.memory_space<vmem>>
    %dma_wait3A_157 = tpu.memref_squeeze %dma_wait3A_156 : memref<1x128xi32, #tpu.memory_space<vmem>> -> memref<128xi32, #tpu.memory_space<vmem>>
    %dma_wait3A_158 = arith.constant 0 : i32
    %dma_wait3A_159 = arith.constant 0 : i32
    %dma_wait3A_160 = tpu.memref_slice %arg4[%dma_wait3A_158, %dma_wait3A_159] : memref<4000x64xf32, #tpu.memory_space<hbm>> -> memref<4000x64xf32, #tpu.memory_space<hbm>>
    tpu.wait_indirect_dma semaphore(%arg16 : memref<!tpu.dma_semaphore, #tpu.memory_space<semaphore_mem>>) src(%dma_wait3A_160 : memref<4000x64xf32, #tpu.memory_space<hbm>>) dst(%dma_wait3A_154 : memref<128x64xf32, #tpu.memory_space<vmem>>)
    %dma_start3A_161 = arith.constant 0 : i32
    %dma_start3A_162 = arith.constant 0 : i32
    %dma_start3A_163 = tpu.memref_slice %arg7[%mul3A_2, %dma_start3A_161, %dma_start3A_162] : memref<64x128x16xf32, #tpu.memory_space<hbm>> -> memref<2x128x16xf32, #tpu.memory_space<hbm>>
    %dma_start3A_164 = arith.constant 0 : i32
    %dma_start3A_165 = arith.constant 0 : i32
    %dma_start3A_166 = tpu.memref_slice %arg7[%mul3A_2, %dma_start3A_164, %dma_start3A_165] : memref<64x128x16xf32, #tpu.memory_space<hbm>> -> memref<2x128x16xf32, #tpu.memory_space<hbm>>
    tpu.enqueue_dma source(%arg12 : memref<2x128x16xf32, #tpu.memory_space<vmem>>) target(%dma_start3A_166 : memref<2x128x16xf32, #tpu.memory_space<hbm>>) target_semaphore(%arg17 : memref<!tpu.dma_semaphore, #tpu.memory_space<semaphore_mem>>)
    %dma_start3A_167 = arith.constant 0 : i32
    %dma_start3A_168 = arith.constant 0 : i32
    %dma_start3A_169 = tpu.memref_slice %arg8[%mul3A_2, %dma_start3A_167, %dma_start3A_168] : memref<64x128x16xf32, #tpu.memory_space<hbm>> -> memref<2x128x16xf32, #tpu.memory_space<hbm>>
    %dma_start3A_170 = arith.constant 0 : i32
    %dma_start3A_171 = arith.constant 0 : i32
    %dma_start3A_172 = tpu.memref_slice %arg8[%mul3A_2, %dma_start3A_170, %dma_start3A_171] : memref<64x128x16xf32, #tpu.memory_space<hbm>> -> memref<2x128x16xf32, #tpu.memory_space<hbm>>
    tpu.enqueue_dma source(%arg13 : memref<2x128x16xf32, #tpu.memory_space<vmem>>) target(%dma_start3A_172 : memref<2x128x16xf32, #tpu.memory_space<hbm>>) target_semaphore(%arg17 : memref<!tpu.dma_semaphore, #tpu.memory_space<semaphore_mem>>)
    %dma_start3A_173 = arith.constant 0 : i32
    %dma_start3A_174 = arith.constant 0 : i32
    %dma_start3A_175 = tpu.memref_slice %arg9[%mul3A_2, %dma_start3A_173, %dma_start3A_174] : memref<64x128x64xf32, #tpu.memory_space<hbm>> -> memref<2x128x64xf32, #tpu.memory_space<hbm>>
    %dma_start3A_176 = arith.constant 0 : i32
    %dma_start3A_177 = arith.constant 0 : i32
    %dma_start3A_178 = tpu.memref_slice %arg9[%mul3A_2, %dma_start3A_176, %dma_start3A_177] : memref<64x128x64xf32, #tpu.memory_space<hbm>> -> memref<2x128x64xf32, #tpu.memory_space<hbm>>
    tpu.enqueue_dma source(%arg14 : memref<2x128x64xf32, #tpu.memory_space<vmem>>) target(%dma_start3A_178 : memref<2x128x64xf32, #tpu.memory_space<hbm>>) target_semaphore(%arg17 : memref<!tpu.dma_semaphore, #tpu.memory_space<semaphore_mem>>)
    %dma_wait3A_179 = arith.constant 0 : i32
    %dma_wait3A_180 = arith.constant 0 : i32
    %dma_wait3A_181 = tpu.memref_slice %arg7[%mul3A_2, %dma_wait3A_179, %dma_wait3A_180] : memref<64x128x16xf32, #tpu.memory_space<hbm>> -> memref<2x128x16xf32, #tpu.memory_space<hbm>>
    %dma_wait3A_182 = arith.constant 0 : i32
    %dma_wait3A_183 = arith.constant 0 : i32
    %dma_wait3A_184 = tpu.memref_slice %arg7[%mul3A_2, %dma_wait3A_182, %dma_wait3A_183] : memref<64x128x16xf32, #tpu.memory_space<hbm>> -> memref<2x128x16xf32, #tpu.memory_space<hbm>>
    tpu.wait_dma2 semaphore(%arg17 : memref<!tpu.dma_semaphore, #tpu.memory_space<semaphore_mem>>) src(%arg12 : memref<2x128x16xf32, #tpu.memory_space<vmem>>) dst(%dma_wait3A_184 : memref<2x128x16xf32, #tpu.memory_space<hbm>>)
    %dma_wait3A_185 = arith.constant 0 : i32
    %dma_wait3A_186 = arith.constant 0 : i32
    %dma_wait3A_187 = tpu.memref_slice %arg8[%mul3A_2, %dma_wait3A_185, %dma_wait3A_186] : memref<64x128x16xf32, #tpu.memory_space<hbm>> -> memref<2x128x16xf32, #tpu.memory_space<hbm>>
    %dma_wait3A_188 = arith.constant 0 : i32
    %dma_wait3A_189 = arith.constant 0 : i32
    %dma_wait3A_190 = tpu.memref_slice %arg8[%mul3A_2, %dma_wait3A_188, %dma_wait3A_189] : memref<64x128x16xf32, #tpu.memory_space<hbm>> -> memref<2x128x16xf32, #tpu.memory_space<hbm>>
    tpu.wait_dma2 semaphore(%arg17 : memref<!tpu.dma_semaphore, #tpu.memory_space<semaphore_mem>>) src(%arg13 : memref<2x128x16xf32, #tpu.memory_space<vmem>>) dst(%dma_wait3A_190 : memref<2x128x16xf32, #tpu.memory_space<hbm>>)
    %dma_wait3A_191 = arith.constant 0 : i32
    %dma_wait3A_192 = arith.constant 0 : i32
    %dma_wait3A_193 = tpu.memref_slice %arg9[%mul3A_2, %dma_wait3A_191, %dma_wait3A_192] : memref<64x128x64xf32, #tpu.memory_space<hbm>> -> memref<2x128x64xf32, #tpu.memory_space<hbm>>
    %dma_wait3A_194 = arith.constant 0 : i32
    %dma_wait3A_195 = arith.constant 0 : i32
    %dma_wait3A_196 = tpu.memref_slice %arg9[%mul3A_2, %dma_wait3A_194, %dma_wait3A_195] : memref<64x128x64xf32, #tpu.memory_space<hbm>> -> memref<2x128x64xf32, #tpu.memory_space<hbm>>
    tpu.wait_dma2 semaphore(%arg17 : memref<!tpu.dma_semaphore, #tpu.memory_space<semaphore_mem>>) src(%arg14 : memref<2x128x64xf32, #tpu.memory_space<vmem>>) dst(%dma_wait3A_196 : memref<2x128x64xf32, #tpu.memory_space<hbm>>)
    return
  }
}

module attributes {stable_mosaic.version = 14 : i64} {
  func.func @body(%arg0: i32, %arg1: memref<25x1024xf32, #tpu.memory_space<vmem>>, %arg2: memref<1024x16xf32, #tpu.memory_space<vmem>>, %arg3: memref<1024x16xf32, #tpu.memory_space<vmem>>, %arg4: memref<1024x64xf32, #tpu.memory_space<vmem>>, %arg5: memref<64x25xf32, #tpu.memory_space<vmem>>, %arg6: memref<25x64x1024xf32, #tpu.memory_space<vmem>>) attributes {dimension_semantics = [#tpu.dimension_semantics<arbitrary>], iteration_bounds = array<i64: 8>, scalar_prefetch = 0 : i64, scratch_operands = 0 : i64, tpu.core_type = #tpu.core_type<tc>, window_params = [{transform_indices = @transform_0, window_bounds = array<i64: 25, 1024>}, {transform_indices = @transform_1, window_bounds = array<i64: 1024, 16>}, {transform_indices = @transform_2, window_bounds = array<i64: 1024, 16>}, {transform_indices = @transform_3, window_bounds = array<i64: 1024, 64>}, {pipeline_mode = #tpu.pipeline_mode<synchronous>, transform_indices = @transform_4, window_bounds = array<i64: 64, 25>}, {transform_indices = @transform_5, window_bounds = array<i64: 25, 64, 1024>}]} {
    %get3A = arith.constant 0 : index
    %get3A_0 = arith.constant 0 : index
    %get3A_1 = vector.load %arg1[%get3A, %get3A_0] : memref<25x1024xf32, #tpu.memory_space<vmem>>, vector<25x1024xf32>
    %get3A_2 = arith.constant 0 : index
    %get3A_3 = arith.constant 0 : index
    %get3A_4 = vector.load %arg2[%get3A_2, %get3A_3] : memref<1024x16xf32, #tpu.memory_space<vmem>>, vector<1024x16xf32>
    %transpose3A = tpu.transpose %get3A_4, [1, 0] : vector<1024x16xf32> -> vector<16x1024xf32>
    %get3A_5 = arith.constant 0 : index
    %get3A_6 = arith.constant 0 : index
    %get3A_7 = vector.load %arg3[%get3A_5, %get3A_6] : memref<1024x16xf32, #tpu.memory_space<vmem>>, vector<1024x16xf32>
    %transpose3A_8 = tpu.transpose %get3A_7, [1, 0] : vector<1024x16xf32> -> vector<16x1024xf32>
    %slice3A = vector.extract_strided_slice %transpose3A_8 {offsets = [7, 0], sizes = [9, 1024], strides = [1, 1]} : vector<16x1024xf32> to vector<9x1024xf32>
    %concatenate3A = tpu.concatenate %transpose3A, %slice3A in 0 : vector<16x1024xf32>, vector<9x1024xf32> -> vector<25x1024xf32>
    %get3A_9 = arith.constant 0 : index
    %get3A_10 = arith.constant 0 : index
    %get3A_11 = vector.load %arg4[%get3A_9, %get3A_10] : memref<1024x64xf32, #tpu.memory_space<vmem>>, vector<1024x64xf32>
    %transpose3A_12 = tpu.transpose %get3A_11, [1, 0] : vector<1024x64xf32> -> vector<64x1024xf32>
    %get3A_13 = arith.constant 0 : index
    %get3A_14 = arith.constant 0 : index
    %get3A_15 = vector.load %arg5[%get3A_13, %get3A_14] : memref<64x25xf32, #tpu.memory_space<vmem>>, vector<64x25xf32>
    %transpose3A_16 = tpu.transpose %get3A_15, [1, 0] : vector<64x25xf32> -> vector<25x64xf32>
    %broadcast_in_dim3A = vector.shape_cast %concatenate3A : vector<25x1024xf32> to vector<25x1x1024xf32>
    %broadcast_in_dim3A_17 = vector.shape_cast %transpose3A_12 : vector<64x1024xf32> to vector<1x64x1024xf32>
    %broadcast_in_dim3A_18 = vector.shape_cast %get3A_1 : vector<25x1024xf32> to vector<25x1x1024xf32>
    %mul3A = vector.broadcast %broadcast_in_dim3A_17 : vector<1x64x1024xf32> to vector<25x64x1024xf32>
    %mul3A_19 = vector.broadcast %broadcast_in_dim3A_18 : vector<25x1x1024xf32> to vector<25x64x1024xf32>
    %mul3A_20 = arith.mulf %mul3A, %mul3A_19 : vector<25x64x1024xf32>
    %add3A = vector.broadcast %broadcast_in_dim3A : vector<25x1x1024xf32> to vector<25x64x1024xf32>
    %add3A_21 = arith.addf %add3A, %mul3A_20 : vector<25x64x1024xf32>
    %exp3A = math.exp %add3A_21 : vector<25x64x1024xf32>
    %broadcast_in_dim3A_22 = vector.shape_cast %transpose3A_16 : vector<25x64xf32> to vector<25x64x1xf32>
    %mul3A_23 = vector.broadcast %broadcast_in_dim3A_22 : vector<25x64x1xf32> to vector<25x64x1024xf32>
    %mul3A_24 = arith.mulf %exp3A, %mul3A_23 : vector<25x64x1024xf32>
    %swap3A = arith.constant 0 : index
    %swap3A_25 = arith.constant 0 : index
    %swap3A_26 = arith.constant 0 : index
    %swap3A_27 = vector.load %arg6[%swap3A, %swap3A_25, %swap3A_26] : memref<25x64x1024xf32, #tpu.memory_space<vmem>>, vector<25x64x1024xf32>
    tpu.vector_store %arg6[%swap3A, %swap3A_25, %swap3A_26], %mul3A_24 {strides = array<i32>} : memref<25x64x1024xf32, #tpu.memory_space<vmem>>, vector<25x64x1024xf32>,
    return
  }
  func.func @transform_0(%arg0: i32) -> (i32, i32) {
    %c0_i32 = arith.constant 0 : i32
    %c0_i32_0 = arith.constant 0 : i32
    return %c0_i32, %arg0 : i32, i32
  }
  func.func @transform_1(%arg0: i32) -> (i32, i32) {
    %c0_i32 = arith.constant 0 : i32
    %c0_i32_0 = arith.constant 0 : i32
    return %arg0, %c0_i32 : i32, i32
  }
  func.func @transform_2(%arg0: i32) -> (i32, i32) {
    %c0_i32 = arith.constant 0 : i32
    %c0_i32_0 = arith.constant 0 : i32
    return %arg0, %c0_i32 : i32, i32
  }
  func.func @transform_3(%arg0: i32) -> (i32, i32) {
    %c0_i32 = arith.constant 0 : i32
    %c0_i32_0 = arith.constant 0 : i32
    return %arg0, %c0_i32 : i32, i32
  }
  func.func @transform_4(%arg0: i32) -> (i32, i32) {
    %c0_i32 = arith.constant 0 : i32
    %c0_i32_0 = arith.constant 0 : i32
    %c0_i32_1 = arith.constant 0 : i32
    return %c0_i32, %c0_i32_0 : i32, i32
  }
  func.func @transform_5(%arg0: i32) -> (i32, i32, i32) {
    %c0_i32 = arith.constant 0 : i32
    %c0_i32_0 = arith.constant 0 : i32
    %c0_i32_1 = arith.constant 0 : i32
    return %c0_i32, %c0_i32_0, %arg0 : i32, i32, i32
  }
}

</mosaic_0001>

<sc_bundles>
// kernel: kernel.4.cloned.1.call-start
scs
__scs_entry_jumppad:
0x0: {  	(pc) =	sbr.rel $0x88, $3  }
0x1: {  	(tag) =	ssettag $0x0;
	lr =	simm.s32 $0x1  }
0x2: {  	[smem:$0x3F9B] =	sst lr;
	_ =	strace $0xD0000000  }
0x3: {  	_ = 	snop  }
0x4: {  	_ = 	snop  }
0x5: {  	_ = 	snop  }
0x6: {  	_ = 	snop  }
0x7: {  	_ = 	snop  }
__scs_overlays_trampoline_lowered:
0x8: {  	[smem:$0x3FAA] =	sst s0  }
0x9: {  	[smem:$0x3FAB] =	sst s1  }
0xa: {  	[smem:$0x3FAC] =	sst s2  }
0xb: {  	[smem:$0x3FAD] =	sst s3  }
0xc: {  	[smem:$0x3FAE] =	sst s4  }
0xd: {  	[smem:$0x3FAF] =	sst s5  }
0xe: {  	[smem:$0x3FB0] =	sst s6  }
0xf: {  	[smem:$0x3FB1] =	sst s7  }
0x10: {  	[smem:$0x3FB2] =	sst s8  }
0x11: {  	[smem:$0x3FB3] =	sst s9;
	s0 =	simm.s32 @!p0 $0x0  }
0x12: {  	s1 =	sld [smem:$0x3F99];
	s0 =	simm.s32 @p0 $0x1  }
0x13: {  	[smem:$0x3FB4] =	sst s0;
	s0 =	simm.s32 @!p1 $0x0  }
0x14: {  	s2 =	sld [smem:$0x3F98];
	s0 =	simm.s32 @p1 $0x1  }
0x15: {  	[smem:$0x3FB5] =	sst s0;
	s0 =	simm.s32 @!p2 $0x0  }
0x16: {  	s3 =	sld [smem:$0x3FDB];
	s0 =	simm.s32 @p2 $0x1  }
0x17: {  	s4 =	simm.s32 $0x1BF5;
	[smem:$0x3FB7] =	sst s0  }
0x18: {  	s0 =	sld [smem:$0x3F9A];
	_ =	swait.ge [sflag:s4], $0x0  }
0x19: {  	s7 =	sld [smem:$0x3F9B]  }
0x1a: {  	s8 =	sadd.s32 $0xFFFFE003, lr  }
0x1b: {  	s9 =	sadd.s32 $0xFFFFFEF7, lr;
	s5 =	simm.s32 $0xFFFFFFFF;
	p2 =	slt.u32 s8, $0xFFFFF086  }
0x1c: {  	p1 =	slt.u32 s9, $0xF7A;
	s5 =	simm.s32 @!p2 $0x0  }
0x1d: {  	s5 =	simm.s32 @p1 $0x1;
	p0 =	seq.s32 s7, s2  }
0x1e: {  	s7 =	smul.u32 @!p0 $0xF7A, s2;
	p2 =	seq.s32 @!p0 s5, $0x0  }
0x1f: {  	s9 =	smul.u32 $0xF7A, s1;
	s8 =	simm.s32 @!p0 $0x1BF5;
	p2 =	por !p2, p0  }
0x20: {  	[sflag:s8] =	ssyncset.s32 @!p0 $0xFFFFF086;
	s6 =	sadd.s32 @!p0 s3, s7;
	s7 =	simm.s32 @!p0 $0x108  }
0x21: {  	s3 =	sadd.s32 s3, s9;
	s6 =	sadd.s32 @!p0 $0x88, s6;
	s7 =	simm.s32 @p2 $0x1082  }
0x22: {  	[simem:s7], [sflag:s8] =	dma.local @!p0 [hbm:s6], $0xF7A  }
0x23: {  	s9 =	sor.u32 $0xD0000000, s2;
	s6 =	simm.s32 $0x108;
	_ =	swait.ge @!p0 [sflag:s8], $0x0  }
0x24: {  	s3 =	sadd.s32 $0x88, s3;
	s6 =	simm.s32 @!p1 $0x1082;
	[sflag:s4] =	ssyncset.s32 $0xFFFFF086  }
0x25: {  	[simem:s6], [sflag:s4] =	dma.local [hbm:s3], $0xF7A  }
0x26: {  	[smem:$0x3F9B] =	sst s1;
	(tag) =	ssettag s2;
	_ =	strace s9  }
0x27: {  	s1 =	sld [smem:$0x3FAB]  }
0x28: {  	s2 =	sld [smem:$0x3FAC]  }
0x29: {  	s4 =	sld [smem:$0x3FAE]  }
0x2a: {  	p0 =	seq.s32 s5, $0x0;
	s5 =	sld [smem:$0x3FAF]  }
0x2b: {  	s6 =	sld [smem:$0x3FB0]  }
0x2c: {  	s7 =	sld [smem:$0x3FB1]  }
0x2d: {  	s3 =	simm.s32 $0x108;
	s8 =	sld [smem:$0x3FB2]  }
0x2e: {  	s3 =	simm.s32 @!p0 $0x1082;
	s9 =	sld [smem:$0x3FB3]  }
0x2f: {  	lr =	sadd.s32 s0, s3;
	s0 =	sld [smem:$0x3FAA]  }
0x30: {  	s3 =	sld [smem:$0x3FAD]  }
0x31: {  	[smem:$0x3FB6] =	sst s10  }
0x32: {  	s10 =	sld [smem:$0x3FB4];
	_ =	sdelay $0x3  }
0x33: {  	p0 =	seq.s32 s10, $0x1;
	s10 =	sld [smem:$0x3FB6];
	_ =	sdelay $0x3  }
0x34: {  	[smem:$0x3FB6] =	sst s10  }
0x35: {  	s10 =	sld [smem:$0x3FB5];
	_ =	sdelay $0x3  }
0x36: {  	p1 =	seq.s32 s10, $0x1;
	s10 =	sld [smem:$0x3FB6];
	_ =	sdelay $0x3  }
0x37: {  	[smem:$0x3FB6] =	sst s10  }
0x38: {  	s10 =	sld [smem:$0x3FB7]  }
0x39: {  	_ = 	snop;
	(pc) =	sbr.ind lr, $3  }
0x3a: {  	_ = 	snop  }
0x3b: {  	_ = 	snop  }
0x3c: {  	p2 =	seq.s32 s10, $0x1;
	s10 =	sld [smem:$0x3FB6]  }
0x3d: {  	_ =	shalt  }
0x3e: {  	_ =	shalt  }
0x3f: {  	_ =	shalt  }
0x40: {  	_ =	shalt  }
0x41: {  	_ =	shalt  }
0x42: {  	_ =	shalt  }
0x43: {  	_ =	shalt  }
0x44: {  	_ =	shalt  }
0x45: {  	_ =	shalt  }
0x46: {  	_ =	shalt  }
0x47: {  	_ =	shalt  }
0x48: {  	_ =	shalt  }
0x49: {  	_ =	shalt  }
0x4a: {  	_ =	shalt  }
0x4b: {  	_ =	shalt  }
0x4c: {  	_ =	shalt  }
0x4d: {  	_ =	shalt  }
0x4e: {  	_ =	shalt  }
0x4f: {  	_ =	shalt  }
0x50: {  	_ =	shalt  }
0x51: {  	_ =	shalt  }
0x52: {  	_ =	shalt  }
0x53: {  	_ =	shalt  }
0x54: {  	_ =	shalt  }
0x55: {  	_ =	shalt  }
0x56: {  	_ =	shalt  }
0x57: {  	_ =	shalt  }
0x58: {  	_ =	shalt  }
0x59: {  	_ =	shalt  }
0x5a: {  	_ =	shalt  }
0x5b: {  	_ =	shalt  }
0x5c: {  	_ =	shalt  }
0x5d: {  	_ =	shalt  }
0x5e: {  	_ =	shalt  }
0x5f: {  	_ =	shalt  }
0x60: {  	_ =	shalt  }
0x61: {  	_ =	shalt  }
0x62: {  	_ =	shalt  }
0x63: {  	_ =	shalt  }
0x64: {  	_ =	shalt  }
0x65: {  	_ =	shalt  }
0x66: {  	_ =	shalt  }
0x67: {  	_ =	shalt  }
0x68: {  	_ =	shalt  }
0x69: {  	_ =	shalt  }
0x6a: {  	_ =	shalt  }
0x6b: {  	_ =	shalt  }
0x6c: {  	_ =	shalt  }
0x6d: {  	_ =	shalt  }
0x6e: {  	_ =	shalt  }
0x6f: {  	_ =	shalt  }
0x70: {  	_ =	shalt  }
0x71: {  	_ =	shalt  }
0x72: {  	_ =	shalt  }
0x73: {  	_ =	shalt  }
0x74: {  	_ =	shalt  }
0x75: {  	_ =	shalt  }
0x76: {  	_ =	shalt  }
0x77: {  	_ =	shalt  }
0x78: {  	_ =	shalt  }
0x79: {  	_ =	shalt  }
0x7a: {  	_ =	shalt  }
0x7b: {  	_ =	shalt  }
0x7c: {  	_ =	shalt  }
0x7d: {  	_ =	shalt  }
0x7e: {  	_ =	shalt  }
0x7f: {  	_ =	shalt  }
0x80: {  	_ =	shalt  }
0x81: {  	_ =	shalt  }
0x82: {  	_ =	shalt  }
0x83: {  	_ =	shalt  }
0x84: {  	_ =	shalt  }
0x85: {  	_ =	shalt  }
0x86: {  	_ =	shalt  }
0x87: {  	_ =	shalt  }
.Lfunc_end0:
.L_simem_size_0:
called_computation_lowered:
.L_overlay_start_0:
0x88: {  	s2 =	sld [smem:$0x3FD9]  }
0x89: {  	s3 =	sld [smem:$0x3FFE];
	_ =	sdelay $0x1  }
0x8a: {  	s1 =	srdreg.scid  }
0x8b: {  	s0 =	sand.u32 $0x1, s1  }
0x8c: {  	s17 =	sshll.u32 s0, $0xA;
	s2 =	sadd.s32 s3, s2  }
0x8d: {  	s2 =	sadd.s32 s2, s17  }
0x8e: {  	[smem:$0x3FC2] =	sst s2  }
0x8f: {  	_ = 	snop  }
0x90: {  	s2 =	sld [smem:$0x3FC7]  }
0x91: {  	s18 =	sld [smem:$0x3FC6]  }
0x92: {  	s4 =	sld [smem:$0x3FD0];
	(tm) =	ssettm $0x1  }
0x93: {  	s5 =	sld [smem:$0x3FFB];
	_ =	sdelay $0x3  }
0x94: {  	_ =	strace s5  }
0x95: {  	s5 =	sld [smem:$0x3FFC];
	_ =	sdelay $0x3  }
0x96: {  	_ =	strace s5  }
0x97: {  	s5 =	sld [smem:$0x3FFD];
	_ =	sdelay $0x3  }
0x98: {  	_ =	strace s5  }
0x99: {  	_ =	strace $0x8FFFFFFF  }
0x9a: {  	s19 =	sld [smem:$0x3FDB];
	_ =	sdelay $0x1  }
0x9b: {  	s6 =	simm.s32 $_scs_section_size  }
0x9c: {  	s7 =	simm.s32 $_size__tile_overlayer_lowered;
	s8 =	simm.s32 $_tile_overlayer_lowered  }
0x9d: {  	s22 =	simm.s32 $0x1BFF;
	s21 =	sshll.u32 s8, $0x1;
	s5 =	sadd.s32 s6, s19  }
0x9e: {  	s9 =	simm.s32 $0x0;
	s20 =	sshll.u32 s7, $0x1;
	s7 =	sadd.s32 s21, s5  }
0x9f: {  	[timem:s9], [sflag:s22] =	dma.local [hbm:s7], s20  }
0xa0: {  	_ =	swait.ge [sflag:s22], s20  }
0xa1: {  	s6 =	ssub.s32 $0x0, s20;
	[sflag:s22] =	ssyncset.done $0x0  }
0xa2: {  	[sflag:s22] =	ssyncadd.s32 s6;
	_ =	sdelay $0x1  }
0xa3: {  	s23 =	simm.s32 $0x1B8B  }
0xa4: {  	_ =	swait.ge [sflag:s23], $0x1  }
0xa5: {  	[sflag:s23] =	ssyncset.done $0x0  }
0xa6: {  	s25 =	simm.s32 $0x1B8E;
	s24 =	sld [smem:$0x3FFE];
	[sflag:s23] =	ssyncadd.s32 $0xFFFFFFFF  }
0xa7: {  	s26 =	simm.s32 $execute0_lowered;
	[smem:$0x3FD2] =	sst s25  }
0xa8: {  	s7 =	sshll.u32 s26, $0x1;
	_ =	strace $0x80000046;
	[dreg:$0x1] =	wrdreg $0xFFFFFFFF  }
0xa9: {  	s28 =	simm.s32 $_size_execute0_lowered;
	s5 =	sadd.s32 s5, s7;
	[dreg:$0x0] =	wrdreg $0x0  }
0xaa: {  	s7 =	sshll.u32 s28, $0x1;
	[dreg:$0x2] =	wrdreg s5  }
0xab: {  	[dreg:$0x3] =	wrdreg s7  }
0xac: {  	[dreg:$0x4] =	wrdreg $0xC0  }
0xad: {  	_ =	task [dreg:s9], $0x5FFFF  }
0xae: {  	[dreg:$0x1] =	wrdreg $0xFFFFFFFF  }
0xaf: {  	[dreg:$0x0] =	wrdreg $0x60  }
0xb0: {  	[dreg:$0x2] =	wrdreg s24  }
0xb1: {  	[dreg:$0x3] =	wrdreg s2  }
0xb2: {  	[dreg:$0x4] =	wrdreg s18  }
0xb3: {  	[dreg:$0x5] =	wrdreg s4  }
0xb4: {  	[dreg:$0x6] =	wrdreg $0x9  }
0xb5: {  	_ =	task.clear_ibuf [dreg:s9], $0x7FFFF;
	_ =	strace $0x90000046  }
0xb6: {  	s29 =	simm.s32 $0x9;
	_ =	strace $0x80000048  }
0xb7: {  	_ =	swait.ge [sflag:s29], $0x1  }
0xb8: {  	[sflag:s29] =	ssyncadd.s32 $0xFFFFFFFF  }
0xb9: {  	_ =	strace $0x90000048  }
0xba: {  	_ =	sfence  }
0xbb: {  	s30 =	sld [smem:$0x0];
	_ =	sdelay $0x2  }
0xbc: {  	s31 =	sshll.u32 s1, $0xD;
	s1 =	sshrl.u32 s1, $0x2  }
0xbd: {  	s3 =	sand.u32 $0x4000, s31;
	s1 =	sadd.s32 s1, s30  }
0xbe: {  	s0 =	sor.u32 s3, s0;
	s1 =	sshll.u32 s1, $0x11  }
0xbf: {  	s0 =	sor.u32 s1, s0  }
0xc0: {  	s0 =	sadd.s32 $0x8F2B, s0  }
0xc1: {  	[sflag:s0] =	ssyncadd.remote.s32 $0x1  }
0xc2: {  	_ =	sfence.sel $0xFFFF  }
0xc3: {  	[dreg:$0x0] =	wrdreg $0xFFFFFFFF;
	(pc) =	sbr.abs _section_cstart, $3  }
0xc4: {  	[dreg:$0x1] =	wrdreg $0xFFFFFFFF  }
0xc5: {  	_ =	task.clear_ibuf [dreg:s9], $0x2FFFF;
	_ =	strace $0x9FFFFFFF  }
0xc6: {  	(tm) =	ssettm $0x7FFFFFFF  }
0xc7: {  	_ =	shalt  }
tec
execute0_lowered:
.L_overlay_start_1:
0x0: {  	(tag) =	ssettag $0x1  }
0x1: {  	s19 =	rddreg [dreg:$0x0];
	s1 =	srdreg.scid  }
0x2: {  	s3 =	rddreg [dreg:$0x1];
	s0 =	stileid.u32;
	s23 =	sand.u32 $0x1, s1  }
0x3: {  	s4 =	rddreg [dreg:$0x2];
	s5 =	sshll.u32 s0, $0x2;
	s6 =	sshll.u32 s23, $0x1  }
0x4: {  	s21 =	rddreg [dreg:$0x3];
	s2 =	simm.s32 $0x0;
	s22 =	sor.u32 s6, s5  }
0x5: {  	[smem:$0x7FF] =	sst s2;
	s5 =	sshll.u32 s22, $0x4  }
0x6: {  	s1 =	rddreg [dreg:$0x4];
	_ =	strace $0x80000047;
	s3 =	sadd.s32 s3, s5  }
0x7: {  	[tilespmem:s2], [sflag:$0x1] =	stream.linear.gather [hbm4b:s3+s2], $0x100, $0x38;
	[tilespmem:$0x6200] =	vst v63  }
0x8: {  	s6 =	simm.s32 $0x1;
	s4 =	sadd.s32 s4, s5;
	s5 =	simm.s32 $0x100  }
0x9: {  	[tilespmem:s5], [sflag:$0x1] =	stream.linear.gather [hbm4b:s4+s2], $0x100, $0x38;
	[tilespmem:$0x6200] =	vst v63  }
0xa: {  	_ =	swait.ge [sflag:s6], $0x100  }
0xb: {  	[sflag:s6] =	ssyncset.done $0x0  }
0xc: {  	[sflag:s6] =	ssyncadd.s32 $0xFFFFFF00  }
0xd: {  	_ =	swait.ge [sflag:s6], $0x100  }
0xe: {  	s8 =	simm.s32 $0x80;
	[sflag:s6] =	ssyncset.done $0x0  }
0xf: {  	s9 =	simm.s32 $0x200;
	s7 =	sadd.s32 $0x13000, s19;
	[sflag:s6] =	ssyncadd.s32 $0xFFFFFF00  }
0x10: {  	[tilespmem:s9], [sflag:$0x2] =	stream.indirect.gather [hbm4b:s7+s8], $0x10, s2, s8, $0xb8;
	[tilespmem:$0x6200] =	vst v63  }
0x11: {  	s11 =	simm.s32 $0x1200;
	s10 =	sadd.s32 $0x9200, s19  }
0x12: {  	[tilespmem:s11], [sflag:$0x2] =	stream.indirect.gather [hbm4b:s10+s8], $0x10, s2, s8, $0xb8;
	[tilespmem:$0x6200] =	vst v63  }
0x13: {  	s13 =	simm.s32 $0x2200;
	s12 =	sadd.s32 $0x1400, s19  }
0x14: {  	[tilespmem:s13], [sflag:$0x2] =	stream.indirect.gather [hbm4b:s12+s8], $0x40, s5, s8, $0xb8;
	[tilespmem:$0x6200] =	vst v63  }
0x15: {  	s14 =	simm.s32 $0xA00  }
0x16: {  	[tilespmem:s14], [sflag:$0x2] =	stream.indirect.gather [hbm4b:s7+s8], $0x10, s8, s8, $0xb8;
	[tilespmem:$0x6200] =	vst v63  }
0x17: {  	s15 =	simm.s32 $0x1A00  }
0x18: {  	[tilespmem:s15], [sflag:$0x2] =	stream.indirect.gather [hbm4b:s10+s8], $0x10, s8, s8, $0xb8;
	[tilespmem:$0x6200] =	vst v63  }
0x19: {  	s16 =	simm.s32 $0x180;
	s17 =	simm.s32 $0x4200;
	s18 =	simm.s32 $0x2  }
0x1a: {  	[tilespmem:s17], [sflag:$0x2] =	stream.indirect.gather [hbm4b:s12+s8], $0x40, s16, s8, $0xb8;
	[tilespmem:$0x6200] =	vst v63  }
0x1b: {  	_ =	swait.ge [sflag:s18], $0x800  }
0x1c: {  	[sflag:s18] =	ssyncset.done $0x0  }
0x1d: {  	[sflag:s18] =	ssyncadd.s32 $0xFFFFF800  }
0x1e: {  	_ =	swait.ge [sflag:s18], $0x800  }
0x1f: {  	[sflag:s18] =	ssyncset.done $0x0  }
0x20: {  	[sflag:s18] =	ssyncadd.s32 $0xFFFFF800  }
0x21: {  	_ =	swait.ge [sflag:s18], $0x2000  }
0x22: {  	[sflag:s18] =	ssyncset.done $0x0  }
0x23: {  	[sflag:s18] =	ssyncadd.s32 $0xFFFFE000  }
0x24: {  	_ =	swait.ge [sflag:s18], $0x800  }
0x25: {  	[sflag:s18] =	ssyncset.done $0x0  }
0x26: {  	[sflag:s18] =	ssyncadd.s32 $0xFFFFF800  }
0x27: {  	_ =	swait.ge [sflag:s18], $0x800  }
0x28: {  	[sflag:s18] =	ssyncset.done $0x0  }
0x29: {  	[sflag:s18] =	ssyncadd.s32 $0xFFFFF800  }
0x2a: {  	s20 =	sshll.u32 s22, $0x8;
	_ =	swait.ge [sflag:s18], $0x2000  }
0x2b: {  	s20 =	sadd.s32 s20, s19;
	[sflag:s18] =	ssyncset.done $0x0  }
0x2c: {  	s19 =	sadd.s32 $0x20E00, s20;
	[sflag:s18] =	ssyncadd.s32 $0xFFFFE000  }
0x2d: {  	[hbm4b:s19+s2] =	stream.linear.scatter [tilespmem:s9], [sflag:$0x3], $0x1000, $0x38;
	[tilespmem:$0x6200] =	vst v63  }
0x2e: {  	s23 =	ssub.s32 $0x2, s23;
	s22 =	sshll.u32 s22, $0xA;
	s20 =	sadd.s32 $0x1CE00, s20  }
0x2f: {  	[hbm4b:s20+s2] =	stream.linear.scatter [tilespmem:s11], [sflag:$0x3], $0x1000, $0x38;
	[tilespmem:$0x6200] =	vst v63  }
0x30: {  	s24 =	sshrl.u32 s23, $0x1;
	s22 =	sadd.s32 s21, s22;
	s21 =	simm.s32 $0x3  }
0x31: {  	[hbm4b:s22+s2] =	stream.linear.scatter [tilespmem:s13], [sflag:$0x3], $0x4000, $0x38;
	[tilespmem:$0x6200] =	vst v63  }
0x32: {  	s23 =	ssub.s32 s23, s24;
	_ =	swait.ge [sflag:s21], $0x1000  }
0x33: {  	s23 =	smax.u32 s23, $0x1;
	[sflag:s21] =	ssyncset.done $0x0  }
0x34: {  	p0 =	sne.s32 s23, $0x1;
	[sflag:s21] =	ssyncadd.s32 $0xFFFFF000  }
.Ltmp0:
0x35: {  	_ =	swait.ge [sflag:s21], $0x1000;
	(pc) =	sbr.rel @!p0 .LBB2_2-.Ltmp0, $4  }
0x36: {  	[sflag:s21] =	ssyncset.done $0x0  }
0x37: {  	[sflag:s21] =	ssyncadd.s32 $0xFFFFF000  }
0x38: {  	_ =	swait.ge [sflag:s21], $0x4000  }
0x39: {  	s23 =	sadd.s32 $0xFFFFFFFF, s23;
	[sflag:s21] =	ssyncset.done $0x0  }
.LBB2_1:
0x3a: {  	p0 =	sne.s32 s23, $0x1;
	s23 =	sadd.s32 $0xFFFFFFFF, s23;
	[sflag:s21] =	ssyncadd.s32 $0xFFFFC000  }
0x3b: {  	[tilespmem:s2], [sflag:$0x1] =	stream.linear.gather [hbm4b:s3+s2], $0x100, $0x38;
	[tilespmem:$0x6200] =	vst v63  }
0x3c: {  	_ = 	snop  }
0x3d: {  	[tilespmem:s5], [sflag:$0x1] =	stream.linear.gather [hbm4b:s4+s2], $0x100, $0x38;
	[tilespmem:$0x6200] =	vst v63  }
0x3e: {  	_ =	swait.ge [sflag:s6], $0x100  }
0x3f: {  	[sflag:s6] =	ssyncset.done $0x0  }
0x40: {  	[sflag:s6] =	ssyncadd.s32 $0xFFFFFF00  }
0x41: {  	_ =	swait.ge [sflag:s6], $0x100  }
0x42: {  	[sflag:s6] =	ssyncset.done $0x0  }
0x43: {  	[sflag:s6] =	ssyncadd.s32 $0xFFFFFF00  }
0x44: {  	[tilespmem:s9], [sflag:$0x2] =	stream.indirect.gather [hbm4b:s7+s8], $0x10, s2, s8, $0xb8;
	[tilespmem:$0x6200] =	vst v63  }
0x45: {  	_ = 	snop  }
0x46: {  	[tilespmem:s11], [sflag:$0x2] =	stream.indirect.gather [hbm4b:s10+s8], $0x10, s2, s8, $0xb8;
	[tilespmem:$0x6200] =	vst v63  }
0x47: {  	_ = 	snop  }
0x48: {  	[tilespmem:s13], [sflag:$0x2] =	stream.indirect.gather [hbm4b:s12+s8], $0x40, s5, s8, $0xb8;
	[tilespmem:$0x6200] =	vst v63  }
0x49: {  	_ = 	snop  }
0x4a: {  	[tilespmem:s14], [sflag:$0x2] =	stream.indirect.gather [hbm4b:s7+s8], $0x10, s8, s8, $0xb8;
	[tilespmem:$0x6200] =	vst v63  }
0x4b: {  	_ = 	snop  }
0x4c: {  	[tilespmem:s15], [sflag:$0x2] =	stream.indirect.gather [hbm4b:s10+s8], $0x10, s8, s8, $0xb8;
	[tilespmem:$0x6200] =	vst v63  }
0x4d: {  	_ = 	snop  }
0x4e: {  	[tilespmem:s17], [sflag:$0x2] =	stream.indirect.gather [hbm4b:s12+s8], $0x40, s16, s8, $0xb8;
	[tilespmem:$0x6200] =	vst v63  }
0x4f: {  	_ =	swait.ge [sflag:s18], $0x800  }
0x50: {  	[sflag:s18] =	ssyncset.done $0x0  }
0x51: {  	[sflag:s18] =	ssyncadd.s32 $0xFFFFF800  }
0x52: {  	_ =	swait.ge [sflag:s18], $0x800  }
0x53: {  	[sflag:s18] =	ssyncset.done $0x0  }
0x54: {  	[sflag:s18] =	ssyncadd.s32 $0xFFFFF800  }
0x55: {  	_ =	swait.ge [sflag:s18], $0x2000  }
0x56: {  	[sflag:s18] =	ssyncset.done $0x0  }
0x57: {  	[sflag:s18] =	ssyncadd.s32 $0xFFFFE000  }
0x58: {  	_ =	swait.ge [sflag:s18], $0x800  }
0x59: {  	[sflag:s18] =	ssyncset.done $0x0  }
0x5a: {  	[sflag:s18] =	ssyncadd.s32 $0xFFFFF800  }
0x5b: {  	_ =	swait.ge [sflag:s18], $0x800  }
0x5c: {  	[sflag:s18] =	ssyncset.done $0x0  }
0x5d: {  	[sflag:s18] =	ssyncadd.s32 $0xFFFFF800  }
0x5e: {  	_ =	swait.ge [sflag:s18], $0x2000  }
0x5f: {  	[sflag:s18] =	ssyncset.done $0x0  }
0x60: {  	[sflag:s18] =	ssyncadd.s32 $0xFFFFE000  }
0x61: {  	[hbm4b:s19+s2] =	stream.linear.scatter [tilespmem:s9], [sflag:$0x3], $0x1000, $0x38;
	[tilespmem:$0x6200] =	vst v63  }
0x62: {  	_ = 	snop  }
0x63: {  	[hbm4b:s20+s2] =	stream.linear.scatter [tilespmem:s11], [sflag:$0x3], $0x1000, $0x38;
	[tilespmem:$0x6200] =	vst v63  }
0x64: {  	_ = 	snop  }
0x65: {  	[hbm4b:s22+s2] =	stream.linear.scatter [tilespmem:s13], [sflag:$0x3], $0x4000, $0x38;
	[tilespmem:$0x6200] =	vst v63  }
0x66: {  	_ =	swait.ge [sflag:s21], $0x1000  }
0x67: {  	[sflag:s21] =	ssyncset.done $0x0  }
0x68: {  	[sflag:s21] =	ssyncadd.s32 $0xFFFFF000  }
.Ltmp1:
0x69: {  	_ =	swait.ge [sflag:s21], $0x1000;
	(pc) =	sbr.rel @p0 .LBB2_1-.Ltmp1, $4  }
0x6a: {  	[sflag:s21] =	ssyncset.done $0x0  }
0x6b: {  	[sflag:s21] =	ssyncadd.s32 $0xFFFFF000  }
0x6c: {  	_ =	swait.ge [sflag:s21], $0x4000  }
0x6d: {  	[sflag:s21] =	ssyncset.done $0x0  }
.LBB2_2:
0x6e: {  	[sflag:s21] =	ssyncadd.s32 $0xFFFFC000  }
0x6f: {  	_ =	sfence.sel $0x180000  }
0x70: {  	[bflag:$0x0] =	sbarrier.arrive $0xFFFF  }
0x71: {  	p0 =	sne.s32 s0, $0x0;
	_ =	strace $0x90000047  }
0x72: {  	s0 =	sadd.s32 @!p0 $0x100000, s1;
	[bflag:$0x2] =	sbarrier.arrive $0xFFFF  }
0x73: {  	[sflag:s0] =	ssyncadd.tile.s32 @!p0 $0x1;
	_ =	shalt  }
.Lfunc_end2:
_tile_overlayer_lowered:
.L_overlay_start_2:
0x74: {  	(tag) =	ssettag $0x2  }
0x75: {  	s0 =	rddreg [dreg:$0x0];
	s2 =	stileid.u32  }
0x76: {  	s1 =	rddreg [dreg:$0x1];
	p0 =	sne.s32 s2, $0x0  }
0x77: {  	s3 =	rddreg [dreg:$0x2];
	[bflag:$0x3] =	sbarrier.arrive $0xFFFF;
	s2 =	simm.s32 @!p0 $0x1C04  }
0x78: {  	[timem:s3], [sflag:s2] =	dma.local @!p0 [hbm:s0], s1  }
0x79: {  	s0 =	simm.s32 @!p0 $0x4  }
0x7a: {  	_ =	swait.ge @!p0 [sflag:s0], s1  }
0x7b: {  	s1 =	ssub.s32 @!p0 $0x0, s1;
	[sflag:s0] =	ssyncset.done @!p0 $0x0  }
0x7c: {  	[sflag:s0] =	ssyncadd.s32 @!p0 s1  }
0x7d: {  	[bflag:$0x3] =	sbarrier.arrive $0xFFFF  }
0x7e: {  	_ =	shalt  }

</sc_bundles>
